<compile_context>
chip_gen: v7x
topology: tpu7x:2x2x1
jax: 0.10.2.dev20260603
libtpu: 0.0.44.dev20260713+nightly
codegen_flags: <defaults>
</compile_context>

<pallas_src>
import functools

import jax
import jax.numpy as jnp
from jax import lax
from jax.experimental import pallas as pl
from jax.experimental.pallas import tpu as pltpu
from jax.experimental.pallas import tpu_sc as plsc

BATCH = 4096
SEQ = 200
D_MODEL = 128
N = BATCH * SEQ
NUM_WORKERS = 32
PER_W = N // NUM_WORKERS
CHUNK = 400
STEPS = PER_W // CHUNK
PAIRS = STEPS // 2


def _make_kernel():
  mesh = plsc.VectorSubcoreMesh(core_axis_name="c", subcore_axis_name="s")

  @functools.partial(
      pl.kernel,
      mesh=mesh,
      out_type=jax.ShapeDtypeStruct((N, D_MODEL), jnp.float32),
      scratch_types=[
          pltpu.VMEM((PER_W,), jnp.int32),
          pltpu.VMEM((2, CHUNK, D_MODEL), jnp.float32),
          pltpu.SemaphoreType.DMA,
          pltpu.SemaphoreType.DMA,
          pltpu.SemaphoreType.DMA,
          pltpu.SemaphoreType.DMA,
      ],
  )
  def body(x_hbm, table_hbm, out_hbm, idx_v, rows_v, g0, g1, p0, p1):
    gsems = (g0, g1)
    psems = (p0, p1)
    wid = lax.axis_index("s") * 2 + lax.axis_index("c")
    base = wid * PER_W
    pltpu.sync_copy(x_hbm.at[pl.ds(base, PER_W)], idx_v)

    def gather(j, b):
      pltpu.async_copy(
          table_hbm.at[idx_v.at[pl.ds(j * CHUNK, CHUNK)]], rows_v.at[b],
          gsems[b])

    def wait_gather(b):
      pltpu.make_async_copy(
          table_hbm.at[idx_v.at[pl.ds(0, CHUNK)]], rows_v.at[b],
          gsems[b]).wait()

    def put(j, b):
      pltpu.async_copy(
          rows_v.at[b], out_hbm.at[pl.ds(base + j * CHUNK, CHUNK)], psems[b])

    def wait_put(b):
      pltpu.make_async_copy(
          rows_v.at[b], out_hbm.at[pl.ds(base, CHUNK)], psems[b]).wait()

    gather(0, 0)
    gather(1, 1)

    def pair(i, carry):
      j0 = i * 2
      wait_gather(0)
      put(j0, 0)
      wait_gather(1)
      wait_put(0)
      gather(j0 + 2, 0)
      put(j0 + 1, 1)
      wait_put(1)
      gather(j0 + 3, 1)
      return carry

    lax.fori_loop(0, PAIRS - 1, pair, 0)

    j0 = (PAIRS - 1) * 2
    wait_gather(0)
    put(j0, 0)
    wait_gather(1)
    wait_put(0)
    put(j0 + 1, 1)
    wait_put(1)

  return body


_embed = _make_kernel()


def kernel(x, table):
  flat = x.astype(jnp.int32).reshape(N)
  out = _embed(flat, table)
  return out.reshape(BATCH, SEQ, D_MODEL)

# --- scband reference (transcript-rebuilt; emitter-appended) ---
"""Pipeline reference for scband-token-embedding-47227460386894 (READ-ONLY COPY).

The authoritative reference and input builder live on the scoring server;
editing this copy changes nothing except your own understanding.
"""

import jax, jax.numpy as jnp
import numpy as np

VOCAB = 100000
D_MODEL = 128
BATCH = 4096
SEQ = 200

def setup_inputs(seed: int = 0) -> dict:
    key = jax.random.key(seed)
    k1, k2 = jax.random.split(key)
    x = jax.random.randint(k1, (BATCH, SEQ), 0, VOCAB, dtype=jnp.int64 if jax.config.jax_enable_x64 else jnp.int32)
    # nn.Embedding default init: N(0, 1)
    table = jax.random.normal(k2, (VOCAB, D_MODEL), dtype=jnp.float32)
    return {"x": x, "table": table}

def reference(x, table):
    # TokenEmbedding.forward: self.__embedding(x)
    return jnp.take(table, x, axis=0)

if __name__ == "__main__":
    import jax
    _d = setup_inputs()
    print(jax.jit(kernel)(*tuple(_d.values())))

</pallas_src>

<mosaic_0001>
#map = affine_map<(d0, d1) -> (0)>
#map1 = affine_map<(d0, d1) -> (0, 0)>
module attributes {stable_mosaic.version = 14 : i64} {
  func.func @body(%arg0: i32, %arg1: i32, %arg2: memref<819200xi32, #tpu.memory_space<hbm>>, %arg3: memref<100000x128xf32, #tpu.memory_space<hbm>>, %arg4: memref<819200x128xf32, #tpu.memory_space<hbm>>, %arg5: memref<25600xi32, #tpu.memory_space<vmem>>, %arg6: memref<2x400x128xf32, #tpu.memory_space<vmem>>, %arg7: memref<!tpu.dma_semaphore, #tpu.memory_space<semaphore_mem>>, %arg8: memref<!tpu.dma_semaphore, #tpu.memory_space<semaphore_mem>>, %arg9: memref<!tpu.dma_semaphore, #tpu.memory_space<semaphore_mem>>, %arg10: memref<!tpu.dma_semaphore, #tpu.memory_space<semaphore_mem>>) attributes {dimension_semantics = [#tpu.dimension_semantics<core_parallel>, #tpu.dimension_semantics<subcore_parallel>], iteration_bounds = array<i64: 2, 16>, scalar_prefetch = 0 : i64, scratch_operands = 6 : i64, tpu.core_type = #tpu.core_type<sc_vector_subcore>, window_params = [{transform_indices = #map}, {transform_indices = #map1}, {transform_indices = #map1}]} {
    %mul3A = arith.constant 2 : i32
    %mul3A_0 = arith.muli %arg1, %mul3A : i32
    %add3A = arith.addi %mul3A_0, %arg0 : i32
    %mul3A_1 = arith.constant 25600 : i32
    %mul3A_2 = arith.muli %add3A, %mul3A_1 : i32
    "tpu.region"() ({
      %run_scoped3A = tpu.sem_alloc : memref<!tpu.dma_semaphore, #tpu.memory_space<semaphore_mem>>
      %dma_start3A_102 = tpu.memref_slice %arg2[%mul3A_2] : memref<819200xi32, #tpu.memory_space<hbm>> -> memref<25600xi32, #tpu.memory_space<hbm>>
      %dma_start3A_103 = tpu.memref_slice %arg2[%mul3A_2] : memref<819200xi32, #tpu.memory_space<hbm>> -> memref<25600xi32, #tpu.memory_space<hbm>>
      tpu.enqueue_dma source(%dma_start3A_103 : memref<25600xi32, #tpu.memory_space<hbm>>) target(%arg5 : memref<25600xi32, #tpu.memory_space<vmem>>) target_semaphore(%run_scoped3A : memref<!tpu.dma_semaphore, #tpu.memory_space<semaphore_mem>>)
      %dma_wait3A_104 = tpu.memref_slice %arg2[%mul3A_2] : memref<819200xi32, #tpu.memory_space<hbm>> -> memref<25600xi32, #tpu.memory_space<hbm>>
      %dma_wait3A_105 = tpu.memref_slice %arg2[%mul3A_2] : memref<819200xi32, #tpu.memory_space<hbm>> -> memref<25600xi32, #tpu.memory_space<hbm>>
      tpu.wait_dma2 semaphore(%run_scoped3A : memref<!tpu.dma_semaphore, #tpu.memory_space<semaphore_mem>>) src(%dma_wait3A_105 : memref<25600xi32, #tpu.memory_space<hbm>>) dst(%arg5 : memref<25600xi32, #tpu.memory_space<vmem>>)
      tpu.yield
    }) : () -> ()
    %dma_start3A = arith.constant 0 : i32
    %dma_start3A_3 = arith.constant 0 : i32
    %dma_start3A_4 = arith.constant 0 : i32
    %dma_start3A_5 = tpu.memref_slice %arg6[%dma_start3A, %dma_start3A_3, %dma_start3A_4] : memref<2x400x128xf32, #tpu.memory_space<vmem>> -> memref<1x400x128xf32, #tpu.memory_space<vmem>>
    %dma_start3A_6 = tpu.memref_squeeze %dma_start3A_5 : memref<1x400x128xf32, #tpu.memory_space<vmem>> -> memref<400x128xf32, #tpu.memory_space<vmem>>
    %dma_start3A_7 = arith.constant 0 : i32
    %dma_start3A_8 = tpu.memref_slice %arg5[%dma_start3A_7] : memref<25600xi32, #tpu.memory_space<vmem>> -> memref<400xi32, #tpu.memory_space<vmem>>
    %dma_start3A_9 = arith.constant 0 : i32
    %dma_start3A_10 = arith.constant 0 : i32
    %dma_start3A_11 = tpu.memref_slice %arg3[%dma_start3A_9, %dma_start3A_10] : memref<100000x128xf32, #tpu.memory_space<hbm>> -> memref<100000x128xf32, #tpu.memory_space<hbm>>
    tpu.enqueue_indirect_dma source(%dma_start3A_11 : memref<100000x128xf32, #tpu.memory_space<hbm>>) target(%dma_start3A_6 : memref<400x128xf32, #tpu.memory_space<vmem>>) offsets(%dma_start3A_8 : memref<400xi32, #tpu.memory_space<vmem>>) semaphore(%arg7 : memref<!tpu.dma_semaphore, #tpu.memory_space<semaphore_mem>>)
    %dma_start3A_12 = arith.constant 1 : i32
    %dma_start3A_13 = arith.constant 0 : i32
    %dma_start3A_14 = arith.constant 0 : i32
    %dma_start3A_15 = tpu.memref_slice %arg6[%dma_start3A_12, %dma_start3A_13, %dma_start3A_14] : memref<2x400x128xf32, #tpu.memory_space<vmem>> -> memref<1x400x128xf32, #tpu.memory_space<vmem>>
    %dma_start3A_16 = tpu.memref_squeeze %dma_start3A_15 : memref<1x400x128xf32, #tpu.memory_space<vmem>> -> memref<400x128xf32, #tpu.memory_space<vmem>>
    %dma_start3A_17 = arith.constant 400 : i32
    %dma_start3A_18 = tpu.memref_slice %arg5[%dma_start3A_17] : memref<25600xi32, #tpu.memory_space<vmem>> -> memref<400xi32, #tpu.memory_space<vmem>>
    %dma_start3A_19 = arith.constant 0 : i32
    %dma_start3A_20 = arith.constant 0 : i32
    %dma_start3A_21 = tpu.memref_slice %arg3[%dma_start3A_19, %dma_start3A_20] : memref<100000x128xf32, #tpu.memory_space<hbm>> -> memref<100000x128xf32, #tpu.memory_space<hbm>>
    tpu.enqueue_indirect_dma source(%dma_start3A_21 : memref<100000x128xf32, #tpu.memory_space<hbm>>) target(%dma_start3A_16 : memref<400x128xf32, #tpu.memory_space<vmem>>) offsets(%dma_start3A_18 : memref<400xi32, #tpu.memory_space<vmem>>) semaphore(%arg8 : memref<!tpu.dma_semaphore, #tpu.memory_space<semaphore_mem>>)
    %scan3A = arith.constant 0 : i32
    %scan3A_22 = arith.constant 0 : i32
    %scan3A_23 = arith.constant 31 : i32
    %scan3A_24 = arith.addi %scan3A_22, %scan3A_23 : i32
    %scan3A_25 = arith.constant 1 : i32
    scf.for %scan3A_102 = %scan3A_22 to %scan3A_24 step %scan3A_25  : i32 {
      %mul3A_103 = arith.constant 2 : i32
      %mul3A_104 = arith.muli %scan3A_102, %mul3A_103 : i32
      %dma_wait3A_105 = arith.constant 0 : i32
      %dma_wait3A_106 = arith.constant 0 : i32
      %dma_wait3A_107 = arith.constant 0 : i32
      %dma_wait3A_108 = tpu.memref_slice %arg6[%dma_wait3A_105, %dma_wait3A_106, %dma_wait3A_107] : memref<2x400x128xf32, #tpu.memory_space<vmem>> -> memref<1x400x128xf32, #tpu.memory_space<vmem>>
      %dma_wait3A_109 = tpu.memref_squeeze %dma_wait3A_108 : memref<1x400x128xf32, #tpu.memory_space<vmem>> -> memref<400x128xf32, #tpu.memory_space<vmem>>
      %dma_wait3A_110 = arith.constant 0 : i32
      %dma_wait3A_111 = tpu.memref_slice %arg5[%dma_wait3A_110] : memref<25600xi32, #tpu.memory_space<vmem>> -> memref<400xi32, #tpu.memory_space<vmem>>
      %dma_wait3A_112 = arith.constant 0 : i32
      %dma_wait3A_113 = arith.constant 0 : i32
      %dma_wait3A_114 = tpu.memref_slice %arg3[%dma_wait3A_112, %dma_wait3A_113] : memref<100000x128xf32, #tpu.memory_space<hbm>> -> memref<100000x128xf32, #tpu.memory_space<hbm>>
      tpu.wait_indirect_dma semaphore(%arg7 : memref<!tpu.dma_semaphore, #tpu.memory_space<semaphore_mem>>) src(%dma_wait3A_114 : memref<100000x128xf32, #tpu.memory_space<hbm>>) dst(%dma_wait3A_109 : memref<400x128xf32, #tpu.memory_space<vmem>>)
      %mul3A_115 = arith.constant 400 : i32
      %mul3A_116 = arith.muli %mul3A_104, %mul3A_115 : i32
      %add3A_117 = arith.addi %mul3A_2, %mul3A_116 : i32
      %dma_start3A_118 = arith.constant 0 : i32
      %dma_start3A_119 = arith.constant 0 : i32
      %dma_start3A_120 = arith.constant 0 : i32
      %dma_start3A_121 = tpu.memref_slice %arg6[%dma_start3A_118, %dma_start3A_119, %dma_start3A_120] : memref<2x400x128xf32, #tpu.memory_space<vmem>> -> memref<1x400x128xf32, #tpu.memory_space<vmem>>
      %dma_start3A_122 = tpu.memref_squeeze %dma_start3A_121 : memref<1x400x128xf32, #tpu.memory_space<vmem>> -> memref<400x128xf32, #tpu.memory_space<vmem>>
      %dma_start3A_123 = arith.constant 0 : i32
      %dma_start3A_124 = tpu.memref_slice %arg4[%add3A_117, %dma_start3A_123] : memref<819200x128xf32, #tpu.memory_space<hbm>> -> memref<400x128xf32, #tpu.memory_space<hbm>>
      %dma_start3A_125 = arith.constant 0 : i32
      %dma_start3A_126 = tpu.memref_slice %arg4[%add3A_117, %dma_start3A_125] : memref<819200x128xf32, #tpu.memory_space<hbm>> -> memref<400x128xf32, #tpu.memory_space<hbm>>
      %dma_start3A_127 = arith.constant 0 : i32
      %dma_start3A_128 = arith.constant 0 : i32
      %dma_start3A_129 = tpu.memref_slice %arg6[%dma_start3A_118, %dma_start3A_127, %dma_start3A_128] : memref<2x400x128xf32, #tpu.memory_space<vmem>> -> memref<1x400x128xf32, #tpu.memory_space<vmem>>
      %dma_start3A_130 = tpu.memref_squeeze %dma_start3A_129 : memref<1x400x128xf32, #tpu.memory_space<vmem>> -> memref<400x128xf32, #tpu.memory_space<vmem>>
      tpu.enqueue_dma source(%dma_start3A_130 : memref<400x128xf32, #tpu.memory_space<vmem>>) target(%dma_start3A_126 : memref<400x128xf32, #tpu.memory_space<hbm>>) target_semaphore(%arg9 : memref<!tpu.dma_semaphore, #tpu.memory_space<semaphore_mem>>)
      %dma_wait3A_131 = arith.constant 1 : i32
      %dma_wait3A_132 = arith.constant 0 : i32
      %dma_wait3A_133 = arith.constant 0 : i32
      %dma_wait3A_134 = tpu.memref_slice %arg6[%dma_wait3A_131, %dma_wait3A_132, %dma_wait3A_133] : memref<2x400x128xf32, #tpu.memory_space<vmem>> -> memref<1x400x128xf32, #tpu.memory_space<vmem>>
      %dma_wait3A_135 = tpu.memref_squeeze %dma_wait3A_134 : memref<1x400x128xf32, #tpu.memory_space<vmem>> -> memref<400x128xf32, #tpu.memory_space<vmem>>
      %dma_wait3A_136 = arith.constant 0 : i32
      %dma_wait3A_137 = tpu.memref_slice %arg5[%dma_wait3A_136] : memref<25600xi32, #tpu.memory_space<vmem>> -> memref<400xi32, #tpu.memory_space<vmem>>
      %dma_wait3A_138 = arith.constant 0 : i32
      %dma_wait3A_139 = arith.constant 0 : i32
      %dma_wait3A_140 = tpu.memref_slice %arg3[%dma_wait3A_138, %dma_wait3A_139] : memref<100000x128xf32, #tpu.memory_space<hbm>> -> memref<100000x128xf32, #tpu.memory_space<hbm>>
      tpu.wait_indirect_dma semaphore(%arg8 : memref<!tpu.dma_semaphore, #tpu.memory_space<semaphore_mem>>) src(%dma_wait3A_140 : memref<100000x128xf32, #tpu.memory_space<hbm>>) dst(%dma_wait3A_135 : memref<400x128xf32, #tpu.memory_space<vmem>>)
      %dma_wait3A_141 = arith.constant 0 : i32
      %dma_wait3A_142 = arith.constant 0 : i32
      %dma_wait3A_143 = arith.constant 0 : i32
      %dma_wait3A_144 = tpu.memref_slice %arg6[%dma_wait3A_141, %dma_wait3A_142, %dma_wait3A_143] : memref<2x400x128xf32, #tpu.memory_space<vmem>> -> memref<1x400x128xf32, #tpu.memory_space<vmem>>
      %dma_wait3A_145 = tpu.memref_squeeze %dma_wait3A_144 : memref<1x400x128xf32, #tpu.memory_space<vmem>> -> memref<400x128xf32, #tpu.memory_space<vmem>>
      %dma_wait3A_146 = arith.constant 0 : i32
      %dma_wait3A_147 = tpu.memref_slice %arg4[%mul3A_2, %dma_wait3A_146] : memref<819200x128xf32, #tpu.memory_space<hbm>> -> memref<400x128xf32, #tpu.memory_space<hbm>>
      %dma_wait3A_148 = arith.constant 0 : i32
      %dma_wait3A_149 = tpu.memref_slice %arg4[%mul3A_2, %dma_wait3A_148] : memref<819200x128xf32, #tpu.memory_space<hbm>> -> memref<400x128xf32, #tpu.memory_space<hbm>>
      %dma_wait3A_150 = arith.constant 0 : i32
      %dma_wait3A_151 = arith.constant 0 : i32
      %dma_wait3A_152 = tpu.memref_slice %arg6[%dma_wait3A_141, %dma_wait3A_150, %dma_wait3A_151] : memref<2x400x128xf32, #tpu.memory_space<vmem>> -> memref<1x400x128xf32, #tpu.memory_space<vmem>>
      %dma_wait3A_153 = tpu.memref_squeeze %dma_wait3A_152 : memref<1x400x128xf32, #tpu.memory_space<vmem>> -> memref<400x128xf32, #tpu.memory_space<vmem>>
      tpu.wait_dma2 semaphore(%arg9 : memref<!tpu.dma_semaphore, #tpu.memory_space<semaphore_mem>>) src(%dma_wait3A_153 : memref<400x128xf32, #tpu.memory_space<vmem>>) dst(%dma_wait3A_149 : memref<400x128xf32, #tpu.memory_space<hbm>>)
      %add3A_154 = arith.constant 2 : i32
      %add3A_155 = arith.addi %mul3A_104, %add3A_154 : i32
      %mul3A_156 = arith.constant 400 : i32
      %mul3A_157 = arith.muli %add3A_155, %mul3A_156 : i32
      %dma_start3A_158 = arith.constant 0 : i32
      %dma_start3A_159 = arith.constant 0 : i32
      %dma_start3A_160 = arith.constant 0 : i32
      %dma_start3A_161 = tpu.memref_slice %arg6[%dma_start3A_158, %dma_start3A_159, %dma_start3A_160] : memref<2x400x128xf32, #tpu.memory_space<vmem>> -> memref<1x400x128xf32, #tpu.memory_space<vmem>>
      %dma_start3A_162 = tpu.memref_squeeze %dma_start3A_161 : memref<1x400x128xf32, #tpu.memory_space<vmem>> -> memref<400x128xf32, #tpu.memory_space<vmem>>
      %dma_start3A_163 = tpu.memref_slice %arg5[%mul3A_157] : memref<25600xi32, #tpu.memory_space<vmem>> -> memref<400xi32, #tpu.memory_space<vmem>>
      %dma_start3A_164 = arith.constant 0 : i32
      %dma_start3A_165 = arith.constant 0 : i32
      %dma_start3A_166 = tpu.memref_slice %arg3[%dma_start3A_164, %dma_start3A_165] : memref<100000x128xf32, #tpu.memory_space<hbm>> -> memref<100000x128xf32, #tpu.memory_space<hbm>>
      tpu.enqueue_indirect_dma source(%dma_start3A_166 : memref<100000x128xf32, #tpu.memory_space<hbm>>) target(%dma_start3A_162 : memref<400x128xf32, #tpu.memory_space<vmem>>) offsets(%dma_start3A_163 : memref<400xi32, #tpu.memory_space<vmem>>) semaphore(%arg7 : memref<!tpu.dma_semaphore, #tpu.memory_space<semaphore_mem>>)
      %add3A_167 = arith.constant 1 : i32
      %add3A_168 = arith.addi %mul3A_104, %add3A_167 : i32
      %mul3A_169 = arith.constant 400 : i32
      %mul3A_170 = arith.muli %add3A_168, %mul3A_169 : i32
      %add3A_171 = arith.addi %mul3A_2, %mul3A_170 : i32
      %dma_start3A_172 = arith.constant 1 : i32
      %dma_start3A_173 = arith.constant 0 : i32
      %dma_start3A_174 = arith.constant 0 : i32
      %dma_start3A_175 = tpu.memref_slice %arg6[%dma_start3A_172, %dma_start3A_173, %dma_start3A_174] : memref<2x400x128xf32, #tpu.memory_space<vmem>> -> memref<1x400x128xf32, #tpu.memory_space<vmem>>
      %dma_start3A_176 = tpu.memref_squeeze %dma_start3A_175 : memref<1x400x128xf32, #tpu.memory_space<vmem>> -> memref<400x128xf32, #tpu.memory_space<vmem>>
      %dma_start3A_177 = arith.constant 0 : i32
      %dma_start3A_178 = tpu.memref_slice %arg4[%add3A_171, %dma_start3A_177] : memref<819200x128xf32, #tpu.memory_space<hbm>> -> memref<400x128xf32, #tpu.memory_space<hbm>>
      %dma_start3A_179 = arith.constant 0 : i32
      %dma_start3A_180 = tpu.memref_slice %arg4[%add3A_171, %dma_start3A_179] : memref<819200x128xf32, #tpu.memory_space<hbm>> -> memref<400x128xf32, #tpu.memory_space<hbm>>
      %dma_start3A_181 = arith.constant 0 : i32
      %dma_start3A_182 = arith.constant 0 : i32
      %dma_start3A_183 = tpu.memref_slice %arg6[%dma_start3A_172, %dma_start3A_181, %dma_start3A_182] : memref<2x400x128xf32, #tpu.memory_space<vmem>> -> memref<1x400x128xf32, #tpu.memory_space<vmem>>
      %dma_start3A_184 = tpu.memref_squeeze %dma_start3A_183 : memref<1x400x128xf32, #tpu.memory_space<vmem>> -> memref<400x128xf32, #tpu.memory_space<vmem>>
      tpu.enqueue_dma source(%dma_start3A_184 : memref<400x128xf32, #tpu.memory_space<vmem>>) target(%dma_start3A_180 : memref<400x128xf32, #tpu.memory_space<hbm>>) target_semaphore(%arg10 : memref<!tpu.dma_semaphore, #tpu.memory_space<semaphore_mem>>)
      %dma_wait3A_185 = arith.constant 1 : i32
      %dma_wait3A_186 = arith.constant 0 : i32
      %dma_wait3A_187 = arith.constant 0 : i32
      %dma_wait3A_188 = tpu.memref_slice %arg6[%dma_wait3A_185, %dma_wait3A_186, %dma_wait3A_187] : memref<2x400x128xf32, #tpu.memory_space<vmem>> -> memref<1x400x128xf32, #tpu.memory_space<vmem>>
      %dma_wait3A_189 = tpu.memref_squeeze %dma_wait3A_188 : memref<1x400x128xf32, #tpu.memory_space<vmem>> -> memref<400x128xf32, #tpu.memory_space<vmem>>
      %dma_wait3A_190 = arith.constant 0 : i32
      %dma_wait3A_191 = tpu.memref_slice %arg4[%mul3A_2, %dma_wait3A_190] : memref<819200x128xf32, #tpu.memory_space<hbm>> -> memref<400x128xf32, #tpu.memory_space<hbm>>
      %dma_wait3A_192 = arith.constant 0 : i32
      %dma_wait3A_193 = tpu.memref_slice %arg4[%mul3A_2, %dma_wait3A_192] : memref<819200x128xf32, #tpu.memory_space<hbm>> -> memref<400x128xf32, #tpu.memory_space<hbm>>
      %dma_wait3A_194 = arith.constant 0 : i32
      %dma_wait3A_195 = arith.constant 0 : i32
      %dma_wait3A_196 = tpu.memref_slice %arg6[%dma_wait3A_185, %dma_wait3A_194, %dma_wait3A_195] : memref<2x400x128xf32, #tpu.memory_space<vmem>> -> memref<1x400x128xf32, #tpu.memory_space<vmem>>
      %dma_wait3A_197 = tpu.memref_squeeze %dma_wait3A_196 : memref<1x400x128xf32, #tpu.memory_space<vmem>> -> memref<400x128xf32, #tpu.memory_space<vmem>>
      tpu.wait_dma2 semaphore(%arg10 : memref<!tpu.dma_semaphore, #tpu.memory_space<semaphore_mem>>) src(%dma_wait3A_197 : memref<400x128xf32, #tpu.memory_space<vmem>>) dst(%dma_wait3A_193 : memref<400x128xf32, #tpu.memory_space<hbm>>)
      %add3A_198 = arith.constant 3 : i32
      %add3A_199 = arith.addi %mul3A_104, %add3A_198 : i32
      %mul3A_200 = arith.constant 400 : i32
      %mul3A_201 = arith.muli %add3A_199, %mul3A_200 : i32
      %dma_start3A_202 = arith.constant 1 : i32
      %dma_start3A_203 = arith.constant 0 : i32
      %dma_start3A_204 = arith.constant 0 : i32
      %dma_start3A_205 = tpu.memref_slice %arg6[%dma_start3A_202, %dma_start3A_203, %dma_start3A_204] : memref<2x400x128xf32, #tpu.memory_space<vmem>> -> memref<1x400x128xf32, #tpu.memory_space<vmem>>
      %dma_start3A_206 = tpu.memref_squeeze %dma_start3A_205 : memref<1x400x128xf32, #tpu.memory_space<vmem>> -> memref<400x128xf32, #tpu.memory_space<vmem>>
      %dma_start3A_207 = tpu.memref_slice %arg5[%mul3A_201] : memref<25600xi32, #tpu.memory_space<vmem>> -> memref<400xi32, #tpu.memory_space<vmem>>
      %dma_start3A_208 = arith.constant 0 : i32
      %dma_start3A_209 = arith.constant 0 : i32
      %dma_start3A_210 = tpu.memref_slice %arg3[%dma_start3A_208, %dma_start3A_209] : memref<100000x128xf32, #tpu.memory_space<hbm>> -> memref<100000x128xf32, #tpu.memory_space<hbm>>
      tpu.enqueue_indirect_dma source(%dma_start3A_210 : memref<100000x128xf32, #tpu.memory_space<hbm>>) target(%dma_start3A_206 : memref<400x128xf32, #tpu.memory_space<vmem>>) offsets(%dma_start3A_207 : memref<400xi32, #tpu.memory_space<vmem>>) semaphore(%arg8 : memref<!tpu.dma_semaphore, #tpu.memory_space<semaphore_mem>>)
    }
    %scan3A_26 = arith.constant 31 : i32
    %dma_wait3A = arith.constant 0 : i32
    %dma_wait3A_27 = arith.constant 0 : i32
    %dma_wait3A_28 = arith.constant 0 : i32
    %dma_wait3A_29 = tpu.memref_slice %arg6[%dma_wait3A, %dma_wait3A_27, %dma_wait3A_28] : memref<2x400x128xf32, #tpu.memory_space<vmem>> -> memref<1x400x128xf32, #tpu.memory_space<vmem>>
    %dma_wait3A_30 = tpu.memref_squeeze %dma_wait3A_29 : memref<1x400x128xf32, #tpu.memory_space<vmem>> -> memref<400x128xf32, #tpu.memory_space<vmem>>
    %dma_wait3A_31 = arith.constant 0 : i32
    %dma_wait3A_32 = tpu.memref_slice %arg5[%dma_wait3A_31] : memref<25600xi32, #tpu.memory_space<vmem>> -> memref<400xi32, #tpu.memory_space<vmem>>
    %dma_wait3A_33 = arith.constant 0 : i32
    %dma_wait3A_34 = arith.constant 0 : i32
    %dma_wait3A_35 = tpu.memref_slice %arg3[%dma_wait3A_33, %dma_wait3A_34] : memref<100000x128xf32, #tpu.memory_space<hbm>> -> memref<100000x128xf32, #tpu.memory_space<hbm>>
    tpu.wait_indirect_dma semaphore(%arg7 : memref<!tpu.dma_semaphore, #tpu.memory_space<semaphore_mem>>) src(%dma_wait3A_35 : memref<100000x128xf32, #tpu.memory_space<hbm>>) dst(%dma_wait3A_30 : memref<400x128xf32, #tpu.memory_space<vmem>>)
    %add3A_36 = arith.constant 24800 : i32
    %add3A_37 = arith.addi %mul3A_2, %add3A_36 : i32
    %dma_start3A_38 = arith.constant 0 : i32
    %dma_start3A_39 = arith.constant 0 : i32
    %dma_start3A_40 = arith.constant 0 : i32
    %dma_start3A_41 = tpu.memref_slice %arg6[%dma_start3A_38, %dma_start3A_39, %dma_start3A_40] : memref<2x400x128xf32, #tpu.memory_space<vmem>> -> memref<1x400x128xf32, #tpu.memory_space<vmem>>
    %dma_start3A_42 = tpu.memref_squeeze %dma_start3A_41 : memref<1x400x128xf32, #tpu.memory_space<vmem>> -> memref<400x128xf32, #tpu.memory_space<vmem>>
    %dma_start3A_43 = arith.constant 0 : i32
    %dma_start3A_44 = tpu.memref_slice %arg4[%add3A_37, %dma_start3A_43] : memref<819200x128xf32, #tpu.memory_space<hbm>> -> memref<400x128xf32, #tpu.memory_space<hbm>>
    %dma_start3A_45 = arith.constant 0 : i32
    %dma_start3A_46 = tpu.memref_slice %arg4[%add3A_37, %dma_start3A_45] : memref<819200x128xf32, #tpu.memory_space<hbm>> -> memref<400x128xf32, #tpu.memory_space<hbm>>
    %dma_start3A_47 = arith.constant 0 : i32
    %dma_start3A_48 = arith.constant 0 : i32
    %dma_start3A_49 = tpu.memref_slice %arg6[%dma_start3A_38, %dma_start3A_47, %dma_start3A_48] : memref<2x400x128xf32, #tpu.memory_space<vmem>> -> memref<1x400x128xf32, #tpu.memory_space<vmem>>
    %dma_start3A_50 = tpu.memref_squeeze %dma_start3A_49 : memref<1x400x128xf32, #tpu.memory_space<vmem>> -> memref<400x128xf32, #tpu.memory_space<vmem>>
    tpu.enqueue_dma source(%dma_start3A_50 : memref<400x128xf32, #tpu.memory_space<vmem>>) target(%dma_start3A_46 : memref<400x128xf32, #tpu.memory_space<hbm>>) target_semaphore(%arg9 : memref<!tpu.dma_semaphore, #tpu.memory_space<semaphore_mem>>)
    %dma_wait3A_51 = arith.constant 1 : i32
    %dma_wait3A_52 = arith.constant 0 : i32
    %dma_wait3A_53 = arith.constant 0 : i32
    %dma_wait3A_54 = tpu.memref_slice %arg6[%dma_wait3A_51, %dma_wait3A_52, %dma_wait3A_53] : memref<2x400x128xf32, #tpu.memory_space<vmem>> -> memref<1x400x128xf32, #tpu.memory_space<vmem>>
    %dma_wait3A_55 = tpu.memref_squeeze %dma_wait3A_54 : memref<1x400x128xf32, #tpu.memory_space<vmem>> -> memref<400x128xf32, #tpu.memory_space<vmem>>
    %dma_wait3A_56 = arith.constant 0 : i32
    %dma_wait3A_57 = tpu.memref_slice %arg5[%dma_wait3A_56] : memref<25600xi32, #tpu.memory_space<vmem>> -> memref<400xi32, #tpu.memory_space<vmem>>
    %dma_wait3A_58 = arith.constant 0 : i32
    %dma_wait3A_59 = arith.constant 0 : i32
    %dma_wait3A_60 = tpu.memref_slice %arg3[%dma_wait3A_58, %dma_wait3A_59] : memref<100000x128xf32, #tpu.memory_space<hbm>> -> memref<100000x128xf32, #tpu.memory_space<hbm>>
    tpu.wait_indirect_dma semaphore(%arg8 : memref<!tpu.dma_semaphore, #tpu.memory_space<semaphore_mem>>) src(%dma_wait3A_60 : memref<100000x128xf32, #tpu.memory_space<hbm>>) dst(%dma_wait3A_55 : memref<400x128xf32, #tpu.memory_space<vmem>>)
    %dma_wait3A_61 = arith.constant 0 : i32
    %dma_wait3A_62 = arith.constant 0 : i32
    %dma_wait3A_63 = arith.constant 0 : i32
    %dma_wait3A_64 = tpu.memref_slice %arg6[%dma_wait3A_61, %dma_wait3A_62, %dma_wait3A_63] : memref<2x400x128xf32, #tpu.memory_space<vmem>> -> memref<1x400x128xf32, #tpu.memory_space<vmem>>
    %dma_wait3A_65 = tpu.memref_squeeze %dma_wait3A_64 : memref<1x400x128xf32, #tpu.memory_space<vmem>> -> memref<400x128xf32, #tpu.memory_space<vmem>>
    %dma_wait3A_66 = arith.constant 0 : i32
    %dma_wait3A_67 = tpu.memref_slice %arg4[%mul3A_2, %dma_wait3A_66] : memref<819200x128xf32, #tpu.memory_space<hbm>> -> memref<400x128xf32, #tpu.memory_space<hbm>>
    %dma_wait3A_68 = arith.constant 0 : i32
    %dma_wait3A_69 = tpu.memref_slice %arg4[%mul3A_2, %dma_wait3A_68] : memref<819200x128xf32, #tpu.memory_space<hbm>> -> memref<400x128xf32, #tpu.memory_space<hbm>>
    %dma_wait3A_70 = arith.constant 0 : i32
    %dma_wait3A_71 = arith.constant 0 : i32
    %dma_wait3A_72 = tpu.memref_slice %arg6[%dma_wait3A_61, %dma_wait3A_70, %dma_wait3A_71] : memref<2x400x128xf32, #tpu.memory_space<vmem>> -> memref<1x400x128xf32, #tpu.memory_space<vmem>>
    %dma_wait3A_73 = tpu.memref_squeeze %dma_wait3A_72 : memref<1x400x128xf32, #tpu.memory_space<vmem>> -> memref<400x128xf32, #tpu.memory_space<vmem>>
    tpu.wait_dma2 semaphore(%arg9 : memref<!tpu.dma_semaphore, #tpu.memory_space<semaphore_mem>>) src(%dma_wait3A_73 : memref<400x128xf32, #tpu.memory_space<vmem>>) dst(%dma_wait3A_69 : memref<400x128xf32, #tpu.memory_space<hbm>>)
    %add3A_74 = arith.constant 25200 : i32
    %add3A_75 = arith.addi %mul3A_2, %add3A_74 : i32
    %dma_start3A_76 = arith.constant 1 : i32
    %dma_start3A_77 = arith.constant 0 : i32
    %dma_start3A_78 = arith.constant 0 : i32
    %dma_start3A_79 = tpu.memref_slice %arg6[%dma_start3A_76, %dma_start3A_77, %dma_start3A_78] : memref<2x400x128xf32, #tpu.memory_space<vmem>> -> memref<1x400x128xf32, #tpu.memory_space<vmem>>
    %dma_start3A_80 = tpu.memref_squeeze %dma_start3A_79 : memref<1x400x128xf32, #tpu.memory_space<vmem>> -> memref<400x128xf32, #tpu.memory_space<vmem>>
    %dma_start3A_81 = arith.constant 0 : i32
    %dma_start3A_82 = tpu.memref_slice %arg4[%add3A_75, %dma_start3A_81] : memref<819200x128xf32, #tpu.memory_space<hbm>> -> memref<400x128xf32, #tpu.memory_space<hbm>>
    %dma_start3A_83 = arith.constant 0 : i32
    %dma_start3A_84 = tpu.memref_slice %arg4[%add3A_75, %dma_start3A_83] : memref<819200x128xf32, #tpu.memory_space<hbm>> -> memref<400x128xf32, #tpu.memory_space<hbm>>
    %dma_start3A_85 = arith.constant 0 : i32
    %dma_start3A_86 = arith.constant 0 : i32
    %dma_start3A_87 = tpu.memref_slice %arg6[%dma_start3A_76, %dma_start3A_85, %dma_start3A_86] : memref<2x400x128xf32, #tpu.memory_space<vmem>> -> memref<1x400x128xf32, #tpu.memory_space<vmem>>
    %dma_start3A_88 = tpu.memref_squeeze %dma_start3A_87 : memref<1x400x128xf32, #tpu.memory_space<vmem>> -> memref<400x128xf32, #tpu.memory_space<vmem>>
    tpu.enqueue_dma source(%dma_start3A_88 : memref<400x128xf32, #tpu.memory_space<vmem>>) target(%dma_start3A_84 : memref<400x128xf32, #tpu.memory_space<hbm>>) target_semaphore(%arg10 : memref<!tpu.dma_semaphore, #tpu.memory_space<semaphore_mem>>)
    %dma_wait3A_89 = arith.constant 1 : i32
    %dma_wait3A_90 = arith.constant 0 : i32
    %dma_wait3A_91 = arith.constant 0 : i32
    %dma_wait3A_92 = tpu.memref_slice %arg6[%dma_wait3A_89, %dma_wait3A_90, %dma_wait3A_91] : memref<2x400x128xf32, #tpu.memory_space<vmem>> -> memref<1x400x128xf32, #tpu.memory_space<vmem>>
    %dma_wait3A_93 = tpu.memref_squeeze %dma_wait3A_92 : memref<1x400x128xf32, #tpu.memory_space<vmem>> -> memref<400x128xf32, #tpu.memory_space<vmem>>
    %dma_wait3A_94 = arith.constant 0 : i32
    %dma_wait3A_95 = tpu.memref_slice %arg4[%mul3A_2, %dma_wait3A_94] : memref<819200x128xf32, #tpu.memory_space<hbm>> -> memref<400x128xf32, #tpu.memory_space<hbm>>
    %dma_wait3A_96 = arith.constant 0 : i32
    %dma_wait3A_97 = tpu.memref_slice %arg4[%mul3A_2, %dma_wait3A_96] : memref<819200x128xf32, #tpu.memory_space<hbm>> -> memref<400x128xf32, #tpu.memory_space<hbm>>
    %dma_wait3A_98 = arith.constant 0 : i32
    %dma_wait3A_99 = arith.constant 0 : i32
    %dma_wait3A_100 = tpu.memref_slice %arg6[%dma_wait3A_89, %dma_wait3A_98, %dma_wait3A_99] : memref<2x400x128xf32, #tpu.memory_space<vmem>> -> memref<1x400x128xf32, #tpu.memory_space<vmem>>
    %dma_wait3A_101 = tpu.memref_squeeze %dma_wait3A_100 : memref<1x400x128xf32, #tpu.memory_space<vmem>> -> memref<400x128xf32, #tpu.memory_space<vmem>>
    tpu.wait_dma2 semaphore(%arg10 : memref<!tpu.dma_semaphore, #tpu.memory_space<semaphore_mem>>) src(%dma_wait3A_101 : memref<400x128xf32, #tpu.memory_space<vmem>>) dst(%dma_wait3A_97 : memref<400x128xf32, #tpu.memory_space<hbm>>)
    return
  }
}

</mosaic_0001>

<sc_bundles>
// kernel: kernel.3.cloned.1.call-start
scs
__scs_entry_jumppad:
0x0: {  	(pc) =	sbr.rel $0x88, $3  }
0x1: {  	(tag) =	ssettag $0x0;
	lr =	simm.s32 $0x1  }
0x2: {  	[smem:$0x3F9F] =	sst lr;
	_ =	strace $0xD0000000  }
0x3: {  	_ = 	snop  }
0x4: {  	_ = 	snop  }
0x5: {  	_ = 	snop  }
0x6: {  	_ = 	snop  }
0x7: {  	_ = 	snop  }
__scs_overlays_trampoline_lowered:
0x8: {  	[smem:$0x3FAE] =	sst s0  }
0x9: {  	[smem:$0x3FAF] =	sst s1  }
0xa: {  	[smem:$0x3FB0] =	sst s2  }
0xb: {  	[smem:$0x3FB1] =	sst s3  }
0xc: {  	[smem:$0x3FB2] =	sst s4  }
0xd: {  	[smem:$0x3FB3] =	sst s5  }
0xe: {  	[smem:$0x3FB4] =	sst s6  }
0xf: {  	[smem:$0x3FB5] =	sst s7  }
0x10: {  	[smem:$0x3FB6] =	sst s8  }
0x11: {  	[smem:$0x3FB7] =	sst s9;
	s0 =	simm.s32 @!p0 $0x0  }
0x12: {  	s1 =	sld [smem:$0x3F9D];
	s0 =	simm.s32 @p0 $0x1  }
0x13: {  	[smem:$0x3FB8] =	sst s0;
	s0 =	simm.s32 @!p1 $0x0  }
0x14: {  	s2 =	sld [smem:$0x3F9C];
	s0 =	simm.s32 @p1 $0x1  }
0x15: {  	[smem:$0x3FB9] =	sst s0;
	s0 =	simm.s32 @!p2 $0x0  }
0x16: {  	s3 =	sld [smem:$0x3FDB];
	s0 =	simm.s32 @p2 $0x1  }
0x17: {  	s4 =	simm.s32 $0x1BF5;
	[smem:$0x3FBB] =	sst s0  }
0x18: {  	s0 =	sld [smem:$0x3F9E];
	_ =	swait.ge [sflag:s4], $0x0  }
0x19: {  	s7 =	sld [smem:$0x3F9F]  }
0x1a: {  	s8 =	sadd.s32 $0xFFFFE003, lr  }
0x1b: {  	s9 =	sadd.s32 $0xFFFFFEF7, lr;
	s5 =	simm.s32 $0xFFFFFFFF;
	p2 =	slt.u32 s8, $0xFFFFF086  }
0x1c: {  	p1 =	slt.u32 s9, $0xF7A;
	s5 =	simm.s32 @!p2 $0x0  }
0x1d: {  	s5 =	simm.s32 @p1 $0x1;
	p0 =	seq.s32 s7, s2  }
0x1e: {  	s7 =	smul.u32 @!p0 $0xF7A, s2;
	p2 =	seq.s32 @!p0 s5, $0x0  }
0x1f: {  	s9 =	smul.u32 $0xF7A, s1;
	s8 =	simm.s32 @!p0 $0x1BF5;
	p2 =	por !p2, p0  }
0x20: {  	[sflag:s8] =	ssyncset.s32 @!p0 $0xFFFFF086;
	s6 =	sadd.s32 @!p0 s3, s7;
	s7 =	simm.s32 @!p0 $0x108  }
0x21: {  	s3 =	sadd.s32 s3, s9;
	s6 =	sadd.s32 @!p0 $0x88, s6;
	s7 =	simm.s32 @p2 $0x1082  }
0x22: {  	[simem:s7], [sflag:s8] =	dma.local @!p0 [hbm:s6], $0xF7A  }
0x23: {  	s9 =	sor.u32 $0xD0000000, s2;
	s6 =	simm.s32 $0x108;
	_ =	swait.ge @!p0 [sflag:s8], $0x0  }
0x24: {  	s3 =	sadd.s32 $0x88, s3;
	s6 =	simm.s32 @!p1 $0x1082;
	[sflag:s4] =	ssyncset.s32 $0xFFFFF086  }
0x25: {  	[simem:s6], [sflag:s4] =	dma.local [hbm:s3], $0xF7A  }
0x26: {  	[smem:$0x3F9F] =	sst s1;
	(tag) =	ssettag s2;
	_ =	strace s9  }
0x27: {  	s1 =	sld [smem:$0x3FAF]  }
0x28: {  	s2 =	sld [smem:$0x3FB0]  }
0x29: {  	s4 =	sld [smem:$0x3FB2]  }
0x2a: {  	p0 =	seq.s32 s5, $0x0;
	s5 =	sld [smem:$0x3FB3]  }
0x2b: {  	s6 =	sld [smem:$0x3FB4]  }
0x2c: {  	s7 =	sld [smem:$0x3FB5]  }
0x2d: {  	s3 =	simm.s32 $0x108;
	s8 =	sld [smem:$0x3FB6]  }
0x2e: {  	s3 =	simm.s32 @!p0 $0x1082;
	s9 =	sld [smem:$0x3FB7]  }
0x2f: {  	lr =	sadd.s32 s0, s3;
	s0 =	sld [smem:$0x3FAE]  }
0x30: {  	s3 =	sld [smem:$0x3FB1]  }
0x31: {  	[smem:$0x3FBA] =	sst s10  }
0x32: {  	s10 =	sld [smem:$0x3FB8];
	_ =	sdelay $0x3  }
0x33: {  	p0 =	seq.s32 s10, $0x1;
	s10 =	sld [smem:$0x3FBA];
	_ =	sdelay $0x3  }
0x34: {  	[smem:$0x3FBA] =	sst s10  }
0x35: {  	s10 =	sld [smem:$0x3FB9];
	_ =	sdelay $0x3  }
0x36: {  	p1 =	seq.s32 s10, $0x1;
	s10 =	sld [smem:$0x3FBA];
	_ =	sdelay $0x3  }
0x37: {  	[smem:$0x3FBA] =	sst s10  }
0x38: {  	s10 =	sld [smem:$0x3FBB]  }
0x39: {  	_ = 	snop;
	(pc) =	sbr.ind lr, $3  }
0x3a: {  	_ = 	snop  }
0x3b: {  	_ = 	snop  }
0x3c: {  	p2 =	seq.s32 s10, $0x1;
	s10 =	sld [smem:$0x3FBA]  }
0x3d: {  	_ =	shalt  }
0x3e: {  	_ =	shalt  }
0x3f: {  	_ =	shalt  }
0x40: {  	_ =	shalt  }
0x41: {  	_ =	shalt  }
0x42: {  	_ =	shalt  }
0x43: {  	_ =	shalt  }
0x44: {  	_ =	shalt  }
0x45: {  	_ =	shalt  }
0x46: {  	_ =	shalt  }
0x47: {  	_ =	shalt  }
0x48: {  	_ =	shalt  }
0x49: {  	_ =	shalt  }
0x4a: {  	_ =	shalt  }
0x4b: {  	_ =	shalt  }
0x4c: {  	_ =	shalt  }
0x4d: {  	_ =	shalt  }
0x4e: {  	_ =	shalt  }
0x4f: {  	_ =	shalt  }
0x50: {  	_ =	shalt  }
0x51: {  	_ =	shalt  }
0x52: {  	_ =	shalt  }
0x53: {  	_ =	shalt  }
0x54: {  	_ =	shalt  }
0x55: {  	_ =	shalt  }
0x56: {  	_ =	shalt  }
0x57: {  	_ =	shalt  }
0x58: {  	_ =	shalt  }
0x59: {  	_ =	shalt  }
0x5a: {  	_ =	shalt  }
0x5b: {  	_ =	shalt  }
0x5c: {  	_ =	shalt  }
0x5d: {  	_ =	shalt  }
0x5e: {  	_ =	shalt  }
0x5f: {  	_ =	shalt  }
0x60: {  	_ =	shalt  }
0x61: {  	_ =	shalt  }
0x62: {  	_ =	shalt  }
0x63: {  	_ =	shalt  }
0x64: {  	_ =	shalt  }
0x65: {  	_ =	shalt  }
0x66: {  	_ =	shalt  }
0x67: {  	_ =	shalt  }
0x68: {  	_ =	shalt  }
0x69: {  	_ =	shalt  }
0x6a: {  	_ =	shalt  }
0x6b: {  	_ =	shalt  }
0x6c: {  	_ =	shalt  }
0x6d: {  	_ =	shalt  }
0x6e: {  	_ =	shalt  }
0x6f: {  	_ =	shalt  }
0x70: {  	_ =	shalt  }
0x71: {  	_ =	shalt  }
0x72: {  	_ =	shalt  }
0x73: {  	_ =	shalt  }
0x74: {  	_ =	shalt  }
0x75: {  	_ =	shalt  }
0x76: {  	_ =	shalt  }
0x77: {  	_ =	shalt  }
0x78: {  	_ =	shalt  }
0x79: {  	_ =	shalt  }
0x7a: {  	_ =	shalt  }
0x7b: {  	_ =	shalt  }
0x7c: {  	_ =	shalt  }
0x7d: {  	_ =	shalt  }
0x7e: {  	_ =	shalt  }
0x7f: {  	_ =	shalt  }
0x80: {  	_ =	shalt  }
0x81: {  	_ =	shalt  }
0x82: {  	_ =	shalt  }
0x83: {  	_ =	shalt  }
0x84: {  	_ =	shalt  }
0x85: {  	_ =	shalt  }
0x86: {  	_ =	shalt  }
0x87: {  	_ =	shalt  }
.Lfunc_end0:
.L_simem_size_0:
called_computation_lowered:
.L_overlay_start_0:
0x88: {  	s2 =	sld [smem:$0x3FD9]  }
0x89: {  	s3 =	sld [smem:$0x3FFE];
	_ =	sdelay $0x1  }
0x8a: {  	s1 =	srdreg.scid  }
0x8b: {  	s0 =	sand.u32 $0x1, s1  }
0x8c: {  	s17 =	sshll.u32 s0, $0xA;
	s2 =	sadd.s32 s3, s2  }
0x8d: {  	s2 =	sadd.s32 s2, s17  }
0x8e: {  	[smem:$0x3FC6] =	sst s2  }
0x8f: {  	_ = 	snop  }
0x90: {  	s2 =	sld [smem:$0x3FC8]  }
0x91: {  	s18 =	sld [smem:$0x3FD0];
	(tm) =	ssettm $0x1  }
0x92: {  	s4 =	sld [smem:$0x3FFB];
	_ =	sdelay $0x3  }
0x93: {  	_ =	strace s4  }
0x94: {  	s4 =	sld [smem:$0x3FFC];
	_ =	sdelay $0x3  }
0x95: {  	_ =	strace s4  }
0x96: {  	s4 =	sld [smem:$0x3FFD];
	_ =	sdelay $0x3  }
0x97: {  	_ =	strace s4  }
0x98: {  	_ =	strace $0x8FFFFFFF  }
0x99: {  	s19 =	sld [smem:$0x3FDB];
	_ =	sdelay $0x1  }
0x9a: {  	s5 =	simm.s32 $_scs_section_size  }
0x9b: {  	s6 =	simm.s32 $_size__tile_overlayer_lowered;
	s7 =	simm.s32 $_tile_overlayer_lowered  }
0x9c: {  	s22 =	simm.s32 $0x1BFF;
	s21 =	sshll.u32 s7, $0x1;
	s4 =	sadd.s32 s5, s19  }
0x9d: {  	s8 =	simm.s32 $0x0;
	s20 =	sshll.u32 s6, $0x1;
	s6 =	sadd.s32 s21, s4  }
0x9e: {  	[timem:s8], [sflag:s22] =	dma.local [hbm:s6], s20  }
0x9f: {  	_ =	swait.ge [sflag:s22], s20  }
0xa0: {  	s5 =	ssub.s32 $0x0, s20;
	[sflag:s22] =	ssyncset.done $0x0  }
0xa1: {  	[sflag:s22] =	ssyncadd.s32 s5;
	_ =	sdelay $0x1  }
0xa2: {  	s23 =	simm.s32 $0x1B8B  }
0xa3: {  	_ =	swait.ge [sflag:s23], $0x1  }
0xa4: {  	[sflag:s23] =	ssyncset.done $0x0  }
0xa5: {  	s25 =	simm.s32 $0x1B8E;
	s24 =	sld [smem:$0x3FFE];
	[sflag:s23] =	ssyncadd.s32 $0xFFFFFFFF  }
0xa6: {  	s26 =	simm.s32 $execute0_lowered;
	[smem:$0x3FD2] =	sst s25  }
0xa7: {  	s6 =	sshll.u32 s26, $0x1;
	_ =	strace $0x80000046;
	[dreg:$0x1] =	wrdreg $0xFFFFFFFF  }
0xa8: {  	s28 =	simm.s32 $_size_execute0_lowered;
	s4 =	sadd.s32 s4, s6;
	[dreg:$0x0] =	wrdreg $0x0  }
0xa9: {  	s6 =	sshll.u32 s28, $0x1;
	[dreg:$0x2] =	wrdreg s4  }
0xaa: {  	[dreg:$0x3] =	wrdreg s6  }
0xab: {  	[dreg:$0x4] =	wrdreg $0xC0  }
0xac: {  	_ =	task [dreg:s8], $0x5FFFF  }
0xad: {  	[dreg:$0x1] =	wrdreg $0xFFFFFFFF  }
0xae: {  	[dreg:$0x0] =	wrdreg $0x60  }
0xaf: {  	[dreg:$0x2] =	wrdreg s24  }
0xb0: {  	[dreg:$0x3] =	wrdreg s2  }
0xb1: {  	[dreg:$0x4] =	wrdreg s18  }
0xb2: {  	[dreg:$0x5] =	wrdreg $0x9  }
0xb3: {  	_ =	task.clear_ibuf [dreg:s8], $0x6FFFF;
	_ =	strace $0x90000046  }
0xb4: {  	s29 =	simm.s32 $0x9;
	_ =	strace $0x80000048  }
0xb5: {  	_ =	swait.ge [sflag:s29], $0x1  }
0xb6: {  	[sflag:s29] =	ssyncadd.s32 $0xFFFFFFFF  }
0xb7: {  	_ =	strace $0x90000048  }
0xb8: {  	_ =	sfence  }
0xb9: {  	s30 =	sld [smem:$0x0];
	_ =	sdelay $0x2  }
0xba: {  	s31 =	sshll.u32 s1, $0xD;
	s1 =	sshrl.u32 s1, $0x2  }
0xbb: {  	s3 =	sand.u32 $0x4000, s31;
	s1 =	sadd.s32 s1, s30  }
0xbc: {  	s0 =	sor.u32 s3, s0;
	s1 =	sshll.u32 s1, $0x11  }
0xbd: {  	s0 =	sor.u32 s1, s0  }
0xbe: {  	s0 =	sadd.s32 $0x8F2B, s0  }
0xbf: {  	[sflag:s0] =	ssyncadd.remote.s32 $0x1  }
0xc0: {  	_ =	sfence.sel $0xFFFF  }
0xc1: {  	[dreg:$0x0] =	wrdreg $0xFFFFFFFF;
	(pc) =	sbr.abs _section_cstart, $3  }
0xc2: {  	[dreg:$0x1] =	wrdreg $0xFFFFFFFF  }
0xc3: {  	_ =	task.clear_ibuf [dreg:s8], $0x2FFFF;
	_ =	strace $0x9FFFFFFF  }
0xc4: {  	(tm) =	ssettm $0x7FFFFFFF  }
0xc5: {  	_ =	shalt  }
tec
execute0_lowered:
.L_overlay_start_1:
0x0: {  	(tag) =	ssettag $0x1  }
0x1: {  	s4 =	rddreg [dreg:$0x0]  }
0x2: {  	s1 =	srdreg.scid;
	s2 =	rddreg [dreg:$0x1]  }
0x3: {  	s0 =	stileid.u32;
	s7 =	rddreg [dreg:$0x2]  }
0x4: {  	s3 =	simm.s32 $0x0;
	s11 =	simm.s32 $0x6400;
	s12 =	simm.s32 $0x12C00  }
0x5: {  	s13 =	simm.s32 $0x1;
	s14 =	simm.s32 $0x2;
	s15 =	simm.s32 $0x3  }
0x6: {  	s16 =	simm.s32 $0x4;
	s5 =	sand.u32 $0x1, s1;
	s29 =	sshll.u32 s0, $0x1  }
0x7: {  	s1 =	rddreg [dreg:$0x3];
	s10 =	smul.u32 $0xC8000, s0;
	s6 =	sor.u32 s5, s29  }
0x8: {  	s17 =	simm.s32 $0x0;
	[smem:$0x7FF] =	sst s3;
	s8 =	smul.u32 $0x6400, s6  }
0x9: {  	_ =	strace $0x80000047;
	s30 =	ssub.s32 $0x2, s5;
	s6 =	smul.u32 $0x320000, s6  }
0xa: {  	s31 =	smul.u32 $0x64000, s5;
	s9 =	sshrl.u32 s30, $0x1;
	s8 =	sshrl.u32 s8, $0x3  }
0xb: {  	s10 =	sadd.s32 s10, s7;
	s6 =	sshrl.u32 s6, $0x3;
	s4 =	sadd.s32 s8, s4  }
0xc: {  	s8 =	ssub.s32 s30, s9;
	s6 =	sadd.s32 s7, s6;
	s9 =	simm.s32 $0x5  }
0xd: {  	s4 =	sadd.s32 $0x400, s4;
	s5 =	sadd.s32 $0x60E00, s6;
	s6 =	sadd.s32 $0x62700, s6  }
0xe: {  	s7 =	smax.u32 s8, $0x1;
	s8 =	sadd.s32 s31, s10;
	s10 =	simm.s32 $0x190  }
.LBB2_1:
0xf: {  	[tilespmem:s3], [sflag:$0x5] =	stream.linear.gather [hbm4b:s4+s3], $0x6400, $0x38;
	[tilespmem:$0x1F400] =	vst v63  }
0x10: {  	_ =	swait.ge [sflag:s9], $0x6400  }
0x11: {  	[sflag:s9] =	ssyncset.done $0x0  }
0x12: {  	[sflag:s9] =	ssyncadd.s32 $0xFFFF9C00  }
0x13: {  	[tilespmem:s11], [sflag:$0x1] =	stream.indirect.gather [hbm4b:s2+s10], $0x80, s3, s10, $0xb8;
	[tilespmem:$0x1F400] =	vst v63  }
0x14: {  	_ = 	snop  }
0x15: {  	[tilespmem:s12], [sflag:$0x2] =	stream.indirect.gather [hbm4b:s2+s10], $0x80, s10, s10, $0xb8;
	[tilespmem:$0x1F400] =	vst v63  }
0x16: {  	_ =	swait.ge [sflag:s13], $0xC800  }
0x17: {  	[sflag:s13] =	ssyncset.done $0x0  }
0x18: {  	s18 =	sadd.s32 $0x0, s8;
	[sflag:s13] =	ssyncadd.s32 $0xFFFF3800  }
0x19: {  	[hbm4b:s18+s3] =	stream.linear.scatter [tilespmem:s11], [sflag:$0x3], $0xC800, $0x38;
	[tilespmem:$0x1F400] =	vst v63  }
0x1a: {  	_ =	swait.ge [sflag:s14], $0xC800  }
0x1b: {  	[sflag:s14] =	ssyncset.done $0x0  }
0x1c: {  	[sflag:s14] =	ssyncadd.s32 $0xFFFF3800  }
0x1d: {  	_ =	swait.ge [sflag:s15], $0xC800  }
0x1e: {  	[sflag:s15] =	ssyncset.done $0x0  }
0x1f: {  	s19 =	simm.s32 $0x320;
	[sflag:s15] =	ssyncadd.s32 $0xFFFF3800  }
0x20: {  	[tilespmem:s11], [sflag:$0x1] =	stream.indirect.gather [hbm4b:s2+s10], $0x80, s19, s10, $0xb8;
	[tilespmem:$0x1F400] =	vst v63  }
0x21: {  	s18 =	sadd.s32 $0x1900, s18  }
0x22: {  	[hbm4b:s18+s3] =	stream.linear.scatter [tilespmem:s12], [sflag:$0x4], $0xC800, $0x38;
	[tilespmem:$0x1F400] =	vst v63  }
0x23: {  	_ =	swait.ge [sflag:s16], $0xC800  }
0x24: {  	s20 =	simm.s32 $0x7D0;
	[sflag:s16] =	ssyncset.done $0x0  }
0x25: {  	s19 =	simm.s32 $0x3200;
	s18 =	simm.s32 $0x4B0;
	[sflag:s16] =	ssyncadd.s32 $0xFFFF3800  }
.LBB2_2:
0x26: {  	[tilespmem:s12], [sflag:$0x2] =	stream.indirect.gather [hbm4b:s2+s10], $0x80, s18, s10, $0xb8;
	[tilespmem:$0x1F400] =	vst v63  }
0x27: {  	s21 =	smov.u32 s19;
	s18 =	smov.u32 s20  }
0x28: {  	p0 =	sne.s32 s19, $0x5DC00;
	s19 =	sadd.s32 $0x3200, s19;
	_ =	swait.ge [sflag:s13], $0xC800  }
0x29: {  	[sflag:s13] =	ssyncset.done $0x0  }
0x2a: {  	s21 =	sadd.s32 s21, s8;
	[sflag:s13] =	ssyncadd.s32 $0xFFFF3800  }
0x2b: {  	[hbm4b:s21+s3] =	stream.linear.scatter [tilespmem:s11], [sflag:$0x3], $0xC800, $0x38;
	[tilespmem:$0x1F400] =	vst v63  }
0x2c: {  	_ =	swait.ge [sflag:s14], $0xC800  }
0x2d: {  	[sflag:s14] =	ssyncset.done $0x0  }
0x2e: {  	[sflag:s14] =	ssyncadd.s32 $0xFFFF3800  }
0x2f: {  	_ =	swait.ge [sflag:s15], $0xC800  }
0x30: {  	[sflag:s15] =	ssyncset.done $0x0  }
0x31: {  	s22 =	sadd.s32 $0xFFFFFE70, s20;
	[sflag:s15] =	ssyncadd.s32 $0xFFFF3800  }
0x32: {  	[tilespmem:s11], [sflag:$0x1] =	stream.indirect.gather [hbm4b:s2+s10], $0x80, s22, s10, $0xb8;
	[tilespmem:$0x1F400] =	vst v63  }
.Ltmp0:
0x33: {  	s21 =	sadd.s32 $0x1900, s21;
	(pc) =	sbr.rel @p0 .LBB2_2-.Ltmp0, $4  }
0x34: {  	[hbm4b:s21+s3] =	stream.linear.scatter [tilespmem:s12], [sflag:$0x4], $0xC800, $0x38;
	[tilespmem:$0x1F400] =	vst v63  }
0x35: {  	_ =	swait.ge [sflag:s16], $0xC800  }
0x36: {  	[sflag:s16] =	ssyncset.done $0x0  }
0x37: {  	s20 =	sadd.s32 $0x320, s20;
	[sflag:s16] =	ssyncadd.s32 $0xFFFF3800  }
0x38: {  	[tilespmem:s12], [sflag:$0x2] =	stream.indirect.gather [hbm4b:s2+s10], $0x80, s18, s10, $0xb8;
	[tilespmem:$0x1F400] =	vst v63  }
0x39: {  	_ =	swait.ge [sflag:s13], $0xC800  }
0x3a: {  	[sflag:s13] =	ssyncset.done $0x0  }
0x3b: {  	[sflag:s13] =	ssyncadd.s32 $0xFFFF3800  }
0x3c: {  	[hbm4b:s5+s3] =	stream.linear.scatter [tilespmem:s11], [sflag:$0x3], $0xC800, $0x38;
	[tilespmem:$0x1F400] =	vst v63  }
0x3d: {  	_ =	swait.ge [sflag:s14], $0xC800  }
0x3e: {  	[sflag:s14] =	ssyncset.done $0x0  }
0x3f: {  	[sflag:s14] =	ssyncadd.s32 $0xFFFF3800  }
0x40: {  	s17 =	sadd.s32 $0x1, s17;
	_ =	swait.ge [sflag:s15], $0xC800  }
0x41: {  	p0 =	sne.s32 s17, s7;
	[sflag:s15] =	ssyncset.done $0x0  }
.Ltmp1:
0x42: {  	[sflag:s15] =	ssyncadd.s32 $0xFFFF3800;
	(pc) =	sbr.rel @p0 .LBB2_1-.Ltmp1, $4  }
0x43: {  	[hbm4b:s6+s3] =	stream.linear.scatter [tilespmem:s12], [sflag:$0x4], $0xC800, $0x38;
	[tilespmem:$0x1F400] =	vst v63  }
0x44: {  	_ =	swait.ge [sflag:s16], $0xC800  }
0x45: {  	[sflag:s16] =	ssyncset.done $0x0  }
0x46: {  	[sflag:s16] =	ssyncadd.s32 $0xFFFF3800  }
0x47: {  	_ =	sfence.sel $0x180000  }
0x48: {  	[bflag:$0x0] =	sbarrier.arrive $0xFFFF  }
0x49: {  	p0 =	sne.s32 s0, $0x0;
	_ =	strace $0x90000047  }
0x4a: {  	s0 =	sadd.s32 @!p0 $0x100000, s1;
	[bflag:$0x2] =	sbarrier.arrive $0xFFFF  }
0x4b: {  	[sflag:s0] =	ssyncadd.tile.s32 @!p0 $0x1;
	_ =	shalt  }
.Lfunc_end2:
_tile_overlayer_lowered:
.L_overlay_start_2:
0x4c: {  	(tag) =	ssettag $0x2  }
0x4d: {  	s0 =	rddreg [dreg:$0x0];
	s2 =	stileid.u32  }
0x4e: {  	s1 =	rddreg [dreg:$0x1];
	p0 =	sne.s32 s2, $0x0  }
0x4f: {  	s3 =	rddreg [dreg:$0x2];
	[bflag:$0x3] =	sbarrier.arrive $0xFFFF;
	s2 =	simm.s32 @!p0 $0x1C05  }
0x50: {  	[timem:s3], [sflag:s2] =	dma.local @!p0 [hbm:s0], s1  }
0x51: {  	s0 =	simm.s32 @!p0 $0x5  }
0x52: {  	_ =	swait.ge @!p0 [sflag:s0], s1  }
0x53: {  	s1 =	ssub.s32 @!p0 $0x0, s1;
	[sflag:s0] =	ssyncset.done @!p0 $0x0  }
0x54: {  	[sflag:s0] =	ssyncadd.s32 @!p0 s1  }
0x55: {  	[bflag:$0x3] =	sbarrier.arrive $0xFFFF  }
0x56: {  	_ =	shalt  }

</sc_bundles>
